<compile_context>
chip_gen: v7x
topology: tpu7x:2x2x1
jax: 0.10.2.dev20260603
libtpu: 0.0.44.dev20260713+nightly
codegen_flags: <defaults>
</compile_context>

<pallas_src>
import functools

import jax
import jax.numpy as jnp
from jax import lax
from jax.experimental import pallas as pl
from jax.experimental.pallas import tpu as pltpu
from jax.experimental.pallas import tpu_sc as plsc

_BSZ, _SEQ, _HID = 4, 8192, 768
_E = 8
_ALPHA = 0.1
_BLK = 4096
_NTOK = _BSZ * _SEQ
_NBLK = _NTOK // _BLK
_NW = 32
_CHUNK = _NTOK // _NW
_NJ = _CHUNK // 16


def _logits_body(x_ref, wt_ref, lg_ref):
    x = x_ref[...]
    wt = wt_ref[...]
    logits = jax.lax.dot_general(
        x, wt, (((1,), (0,)), ((), ())), preferred_element_type=jnp.float32
    )
    lg_ref[...] = logits.T


def _tc_logits(xf, wt):
    return pl.pallas_call(
        _logits_body,
        grid=(_NBLK,),
        in_specs=[
            pl.BlockSpec((_BLK, _HID), lambda i: (i, 0)),
            pl.BlockSpec((_HID, _E), lambda i: (0, 0)),
        ],
        out_specs=pl.BlockSpec((_E, _BLK), lambda i: (0, i)),
        out_shape=jax.ShapeDtypeStruct((_E, _NTOK), jnp.float32),
        compiler_params=pltpu.CompilerParams(
            dimension_semantics=("arbitrary",),
        ),
    )(xf, wt)


@functools.partial(
    pl.kernel,
    out_type=[
        jax.ShapeDtypeStruct((_NTOK,), jnp.int32),
        jax.ShapeDtypeStruct((_NTOK,), jnp.int32),
        jax.ShapeDtypeStruct((_NTOK,), jnp.float32),
        jax.ShapeDtypeStruct((_NTOK,), jnp.float32),
        jax.ShapeDtypeStruct((_NW, 2 * _E, 16), jnp.float32),
    ],
    mesh=plsc.VectorSubcoreMesh(core_axis_name="c", subcore_axis_name="s"),
    scratch_types=[
        pltpu.VMEM((_E, _CHUNK), jnp.float32),
        pltpu.VMEM((_CHUNK,), jnp.int32),
        pltpu.VMEM((_CHUNK,), jnp.int32),
        pltpu.VMEM((_CHUNK,), jnp.float32),
        pltpu.VMEM((_CHUNK,), jnp.float32),
        pltpu.VMEM((2 * _E, 16), jnp.float32),
    ],
)
def _sc_route(lg_hbm, i1_hbm, i2_hbm, w1_hbm, w2_hbm, part_hbm,
              lg_v, i1_v, i2_v, w1_v, w2_v, part_v):
    wid = lax.axis_index("s") * 2 + lax.axis_index("c")
    pltpu.sync_copy(lg_hbm.at[:, pl.ds(wid * _CHUNK, _CHUNK)], lg_v)

    zeros = jnp.zeros((16,), jnp.float32)

    def step(j, carry):
        acc = carry
        off = j * 16
        e = [lg_v[k, pl.ds(off, 16)] for k in range(_E)]
        m = e[0]
        for k in range(1, _E):
            m = jnp.maximum(m, e[k])
        ex = [jnp.exp(v - m) for v in e]
        s = ex[0]
        for k in range(1, _E):
            s = s + ex[k]
        inv = 1.0 / s
        sc = [v * inv for v in ex]

        b1 = sc[0]
        i1 = jnp.zeros((16,), jnp.int32)
        for k in range(1, _E):
            kk = jnp.full((16,), k, jnp.int32)
            c = sc[k] > b1
            b1 = jnp.where(c, sc[k], b1)
            i1 = jnp.where(c, kk, i1)
        msk = [jnp.where(i1 == k, -1.0, sc[k]) for k in range(_E)]
        b2 = msk[0]
        i2 = jnp.zeros((16,), jnp.int32)
        for k in range(1, _E):
            kk = jnp.full((16,), k, jnp.int32)
            c = msk[k] > b2
            b2 = jnp.where(c, msk[k], b2)
            i2 = jnp.where(c, kk, i2)

        invd = 1.0 / (b1 + b2 + 1e-20)
        i1_v[pl.ds(off, 16)] = i1
        i2_v[pl.ds(off, 16)] = i2
        w1_v[pl.ds(off, 16)] = b1 * invd
        w2_v[pl.ds(off, 16)] = b2 * invd

        new = []
        for k in range(_E):
            one1 = jnp.where(i1 == k, 1.0, 0.0)
            one2 = jnp.where(i2 == k, 1.0, 0.0)
            new.append(acc[k] + one1 + one2)
        for k in range(_E):
            new.append(acc[_E + k] + sc[k])
        return tuple(new)

    acc = lax.fori_loop(0, _NJ, step, tuple(zeros for _ in range(2 * _E)))
    for k in range(2 * _E):
        part_v[k] = acc[k]

    base = wid * _CHUNK
    pltpu.sync_copy(i1_v, i1_hbm.at[pl.ds(base, _CHUNK)])
    pltpu.sync_copy(i2_v, i2_hbm.at[pl.ds(base, _CHUNK)])
    pltpu.sync_copy(w1_v, w1_hbm.at[pl.ds(base, _CHUNK)])
    pltpu.sync_copy(w2_v, w2_hbm.at[pl.ds(base, _CHUNK)])
    pltpu.sync_copy(part_v, part_hbm.at[wid])



@functools.partial(
    pl.kernel,
    out_type=jax.ShapeDtypeStruct((16,), jnp.float32),
    mesh=plsc.VectorSubcoreMesh(core_axis_name="c", subcore_axis_name="s"),
    scratch_types=[pltpu.VMEM((16,), jnp.float32)],
)
def _sc_nop(in_hbm, out_hbm, buf_v):
    wid = lax.axis_index("s") * 2 + lax.axis_index("c")

    @pl.when(wid == 0)
    def _():
        pltpu.sync_copy(in_hbm, buf_v)
        buf_v[...] = buf_v[...] + 1.0
        pltpu.sync_copy(buf_v, out_hbm)

def kernel(x, weight):
    xf = x.reshape(_NTOK, _HID)
    wt = weight.T
    o = _sc_nop(xf[0, :16])
    return o, o, o[0]
    lg = _tc_logits(xf, wt)
    i1a, i2a, w1a, w2a, part = _sc_route(lg)
    topk_idx = jnp.stack([i1a, i2a], axis=1)
    topk_weight = jnp.stack([w1a, w2a], axis=1)
    cnt = part[:, :_E, :].sum(axis=2).reshape(_BSZ, _NW // _BSZ, _E).sum(axis=1)
    ssum = part[:, _E:, :].sum(axis=2).reshape(_BSZ, _NW // _BSZ, _E).sum(axis=1)
    ce = cnt * (_E / (_SEQ * 2.0))
    aux_loss = jnp.sum(ce * (ssum / _SEQ), axis=1).mean() * _ALPHA
    return topk_idx, topk_weight, aux_loss

# --- scband reference (transcript-rebuilt; emitter-appended) ---
"""Pipeline reference for scband-mo-egate-15015205667494 (READ-ONLY COPY).

The authoritative reference and input builder live on the scoring server;
editing this copy changes nothing except your own understanding.
"""

import jax, jax.numpy as jnp
import numpy as np

BSZ, SEQ, HID = 4, 8192, 768
N_EXPERTS = 8
TOPK = 2
ALPHA = 0.1


def setup_inputs(seed: int = 0) -> dict:
    key = jax.random.key(seed)
    kx, kw = jax.random.split(key)
    x = jax.random.normal(kx, (BSZ, SEQ, HID), dtype=jnp.float32)
    # kaiming_uniform_(a=sqrt(5)) on (E, HID): bound = sqrt(6 / ((1 + 5) * fan_in)) = 1/sqrt(fan_in)
    bound = 1.0 / np.sqrt(HID)
    weight = jax.random.uniform(kw, (N_EXPERTS, HID), minval=-bound, maxval=bound, dtype=jnp.float32)
    return {"x": x, "weight": weight}


def reference(x, weight):
    bsz, seq_len, hidden_size = x.shape
    xf = x.reshape(-1, hidden_size)
    logits = xf @ weight.T
    scores = jax.nn.softmax(logits, axis=-1)
    topk_weight, topk_idx = jax.lax.top_k(scores, TOPK)
    # norm_topk_prob
    denominator = jnp.sum(topk_weight, axis=1, keepdims=True) + 1e-20
    topk_weight = topk_weight / denominator
    # training-mode seq_aux load-balancing loss
    idx_flat = topk_idx.reshape(bsz, -1)
    ce = jnp.zeros((bsz, N_EXPERTS), dtype=jnp.float32)
    ce = ce.at[jnp.arange(bsz)[:, None], idx_flat].add(1.0)
    ce = ce / (seq_len * TOPK / N_EXPERTS)
    scores_seq = scores.reshape(bsz, seq_len, N_EXPERTS)
    aux_loss = jnp.sum(ce * jnp.mean(scores_seq, axis=1), axis=1).mean() * ALPHA
    return (topk_idx, topk_weight, aux_loss)

if __name__ == "__main__":
    import jax
    _d = setup_inputs()
    print(jax.jit(kernel)(*tuple(_d.values())))

</pallas_src>

<mosaic_0001>
#map = affine_map<(d0, d1) -> (0)>
module attributes {stable_mosaic.version = 14 : i64} {
  func.func @_sc_nop(%arg0: i32, %arg1: i32, %arg2: memref<16xf32, #tpu.memory_space<hbm>>, %arg3: memref<16xf32, #tpu.memory_space<hbm>>, %arg4: memref<16xf32, #tpu.memory_space<vmem>>) attributes {dimension_semantics = [#tpu.dimension_semantics<core_parallel>, #tpu.dimension_semantics<subcore_parallel>], iteration_bounds = array<i64: 2, 16>, scalar_prefetch = 0 : i64, scratch_operands = 1 : i64, tpu.core_type = #tpu.core_type<sc_vector_subcore>, window_params = [{transform_indices = #map}, {transform_indices = #map}]} {
    %mul3A = arith.constant 2 : i32
    %mul3A_0 = arith.muli %arg1, %mul3A : i32
    %add3A = arith.addi %mul3A_0, %arg0 : i32
    %eq3A = arith.constant 0 : i32
    %eq3A_1 = arith.cmpi eq, %add3A, %eq3A : i32
    %convert_element_type3A = arith.extui %eq3A_1 : i1 to i32
    %cond3A = arith.constant 0 : i32
    %cond3A_2 = arith.cmpi ne, %convert_element_type3A, %cond3A : i32
    scf.if %cond3A_2 {
      "tpu.region"() ({
        %run_scoped3A = tpu.sem_alloc : memref<!tpu.dma_semaphore, #tpu.memory_space<semaphore_mem>>
        tpu.enqueue_dma source(%arg2 : memref<16xf32, #tpu.memory_space<hbm>>) target(%arg4 : memref<16xf32, #tpu.memory_space<vmem>>) target_semaphore(%run_scoped3A : memref<!tpu.dma_semaphore, #tpu.memory_space<semaphore_mem>>)
        tpu.wait_dma2 semaphore(%run_scoped3A : memref<!tpu.dma_semaphore, #tpu.memory_space<semaphore_mem>>) src(%arg2 : memref<16xf32, #tpu.memory_space<hbm>>) dst(%arg4 : memref<16xf32, #tpu.memory_space<vmem>>)
        tpu.yield
      }) : () -> ()
      %get3A = arith.constant 0 : index
      %get3A_3 = tpu.vector_load %arg4[%get3A] {strides = array<i32>} : memref<16xf32, #tpu.memory_space<vmem>>, vector<16xf32>,
      %get3A_4 = vector.shape_cast %get3A_3 : vector<16xf32> to vector<16xf32>
      %add3A_5 = arith.constant 1.000000e+00 : f32
      %add3A_6 = vector.broadcast %add3A_5 : f32 to vector<16xf32>
      %add3A_7 = arith.addf %get3A_4, %add3A_6 : vector<16xf32>
      %swap3A = arith.constant 0 : index
      %swap3A_8 = tpu.vector_load %arg4[%swap3A] {strides = array<i32>} : memref<16xf32, #tpu.memory_space<vmem>>, vector<16xf32>,
      %swap3A_9 = vector.shape_cast %swap3A_8 : vector<16xf32> to vector<16xf32>
      %swap3A_10 = vector.shape_cast %add3A_7 : vector<16xf32> to vector<16xf32>
      tpu.vector_store %arg4[%swap3A], %swap3A_10 {strides = array<i32>} : memref<16xf32, #tpu.memory_space<vmem>>, vector<16xf32>,
      "tpu.region"() ({
        %run_scoped3A = tpu.sem_alloc : memref<!tpu.dma_semaphore, #tpu.memory_space<semaphore_mem>>
        tpu.enqueue_dma source(%arg4 : memref<16xf32, #tpu.memory_space<vmem>>) target(%arg3 : memref<16xf32, #tpu.memory_space<hbm>>) target_semaphore(%run_scoped3A : memref<!tpu.dma_semaphore, #tpu.memory_space<semaphore_mem>>)
        tpu.wait_dma2 semaphore(%run_scoped3A : memref<!tpu.dma_semaphore, #tpu.memory_space<semaphore_mem>>) src(%arg4 : memref<16xf32, #tpu.memory_space<vmem>>) dst(%arg3 : memref<16xf32, #tpu.memory_space<hbm>>)
        tpu.yield
      }) : () -> ()
    } else {
    }
    return
  }
}

</mosaic_0001>

<sc_bundles>
// kernel: kernel.3.cloned.1.call-start
scs
__scs_entry_jumppad:
0x0: {  	(pc) =	sbr.rel $0x88, $3  }
0x1: {  	(tag) =	ssettag $0x0;
	lr =	simm.s32 $0x1  }
0x2: {  	[smem:$0x3FA0] =	sst lr;
	_ =	strace $0xD0000000  }
0x3: {  	_ = 	snop  }
0x4: {  	_ = 	snop  }
0x5: {  	_ = 	snop  }
0x6: {  	_ = 	snop  }
0x7: {  	_ = 	snop  }
__scs_overlays_trampoline_lowered:
0x8: {  	[smem:$0x3FAF] =	sst s0  }
0x9: {  	[smem:$0x3FB0] =	sst s1  }
0xa: {  	[smem:$0x3FB1] =	sst s2  }
0xb: {  	[smem:$0x3FB2] =	sst s3  }
0xc: {  	[smem:$0x3FB3] =	sst s4  }
0xd: {  	[smem:$0x3FB4] =	sst s5  }
0xe: {  	[smem:$0x3FB5] =	sst s6  }
0xf: {  	[smem:$0x3FB6] =	sst s7  }
0x10: {  	[smem:$0x3FB7] =	sst s8  }
0x11: {  	[smem:$0x3FB8] =	sst s9;
	s0 =	simm.s32 @!p0 $0x0  }
0x12: {  	s1 =	sld [smem:$0x3F9E];
	s0 =	simm.s32 @p0 $0x1  }
0x13: {  	[smem:$0x3FB9] =	sst s0;
	s0 =	simm.s32 @!p1 $0x0  }
0x14: {  	s2 =	sld [smem:$0x3F9D];
	s0 =	simm.s32 @p1 $0x1  }
0x15: {  	[smem:$0x3FBA] =	sst s0;
	s0 =	simm.s32 @!p2 $0x0  }
0x16: {  	s3 =	sld [smem:$0x3FDB];
	s0 =	simm.s32 @p2 $0x1  }
0x17: {  	s4 =	simm.s32 $0x1BF5;
	[smem:$0x3FBC] =	sst s0  }
0x18: {  	s0 =	sld [smem:$0x3F9F];
	_ =	swait.ge [sflag:s4], $0x0  }
0x19: {  	s7 =	sld [smem:$0x3FA0]  }
0x1a: {  	s8 =	sadd.s32 $0xFFFFE003, lr  }
0x1b: {  	s9 =	sadd.s32 $0xFFFFFEF7, lr;
	s5 =	simm.s32 $0xFFFFFFFF;
	p2 =	slt.u32 s8, $0xFFFFF086  }
0x1c: {  	p1 =	slt.u32 s9, $0xF7A;
	s5 =	simm.s32 @!p2 $0x0  }
0x1d: {  	s5 =	simm.s32 @p1 $0x1;
	p0 =	seq.s32 s7, s2  }
0x1e: {  	s7 =	smul.u32 @!p0 $0xF7A, s2;
	p2 =	seq.s32 @!p0 s5, $0x0  }
0x1f: {  	s9 =	smul.u32 $0xF7A, s1;
	s8 =	simm.s32 @!p0 $0x1BF5;
	p2 =	por !p2, p0  }
0x20: {  	[sflag:s8] =	ssyncset.s32 @!p0 $0xFFFFF086;
	s6 =	sadd.s32 @!p0 s3, s7;
	s7 =	simm.s32 @!p0 $0x108  }
0x21: {  	s3 =	sadd.s32 s3, s9;
	s6 =	sadd.s32 @!p0 $0x88, s6;
	s7 =	simm.s32 @p2 $0x1082  }
0x22: {  	[simem:s7], [sflag:s8] =	dma.local @!p0 [hbm:s6], $0xF7A  }
0x23: {  	s9 =	sor.u32 $0xD0000000, s2;
	s6 =	simm.s32 $0x108;
	_ =	swait.ge @!p0 [sflag:s8], $0x0  }
0x24: {  	s3 =	sadd.s32 $0x88, s3;
	s6 =	simm.s32 @!p1 $0x1082;
	[sflag:s4] =	ssyncset.s32 $0xFFFFF086  }
0x25: {  	[simem:s6], [sflag:s4] =	dma.local [hbm:s3], $0xF7A  }
0x26: {  	[smem:$0x3FA0] =	sst s1;
	(tag) =	ssettag s2;
	_ =	strace s9  }
0x27: {  	s1 =	sld [smem:$0x3FB0]  }
0x28: {  	s2 =	sld [smem:$0x3FB1]  }
0x29: {  	s4 =	sld [smem:$0x3FB3]  }
0x2a: {  	p0 =	seq.s32 s5, $0x0;
	s5 =	sld [smem:$0x3FB4]  }
0x2b: {  	s6 =	sld [smem:$0x3FB5]  }
0x2c: {  	s7 =	sld [smem:$0x3FB6]  }
0x2d: {  	s3 =	simm.s32 $0x108;
	s8 =	sld [smem:$0x3FB7]  }
0x2e: {  	s3 =	simm.s32 @!p0 $0x1082;
	s9 =	sld [smem:$0x3FB8]  }
0x2f: {  	lr =	sadd.s32 s0, s3;
	s0 =	sld [smem:$0x3FAF]  }
0x30: {  	s3 =	sld [smem:$0x3FB2]  }
0x31: {  	[smem:$0x3FBB] =	sst s10  }
0x32: {  	s10 =	sld [smem:$0x3FB9];
	_ =	sdelay $0x3  }
0x33: {  	p0 =	seq.s32 s10, $0x1;
	s10 =	sld [smem:$0x3FBB];
	_ =	sdelay $0x3  }
0x34: {  	[smem:$0x3FBB] =	sst s10  }
0x35: {  	s10 =	sld [smem:$0x3FBA];
	_ =	sdelay $0x3  }
0x36: {  	p1 =	seq.s32 s10, $0x1;
	s10 =	sld [smem:$0x3FBB];
	_ =	sdelay $0x3  }
0x37: {  	[smem:$0x3FBB] =	sst s10  }
0x38: {  	s10 =	sld [smem:$0x3FBC]  }
0x39: {  	_ = 	snop;
	(pc) =	sbr.ind lr, $3  }
0x3a: {  	_ = 	snop  }
0x3b: {  	_ = 	snop  }
0x3c: {  	p2 =	seq.s32 s10, $0x1;
	s10 =	sld [smem:$0x3FBB]  }
0x3d: {  	_ =	shalt  }
0x3e: {  	_ =	shalt  }
0x3f: {  	_ =	shalt  }
0x40: {  	_ =	shalt  }
0x41: {  	_ =	shalt  }
0x42: {  	_ =	shalt  }
0x43: {  	_ =	shalt  }
0x44: {  	_ =	shalt  }
0x45: {  	_ =	shalt  }
0x46: {  	_ =	shalt  }
0x47: {  	_ =	shalt  }
0x48: {  	_ =	shalt  }
0x49: {  	_ =	shalt  }
0x4a: {  	_ =	shalt  }
0x4b: {  	_ =	shalt  }
0x4c: {  	_ =	shalt  }
0x4d: {  	_ =	shalt  }
0x4e: {  	_ =	shalt  }
0x4f: {  	_ =	shalt  }
0x50: {  	_ =	shalt  }
0x51: {  	_ =	shalt  }
0x52: {  	_ =	shalt  }
0x53: {  	_ =	shalt  }
0x54: {  	_ =	shalt  }
0x55: {  	_ =	shalt  }
0x56: {  	_ =	shalt  }
0x57: {  	_ =	shalt  }
0x58: {  	_ =	shalt  }
0x59: {  	_ =	shalt  }
0x5a: {  	_ =	shalt  }
0x5b: {  	_ =	shalt  }
0x5c: {  	_ =	shalt  }
0x5d: {  	_ =	shalt  }
0x5e: {  	_ =	shalt  }
0x5f: {  	_ =	shalt  }
0x60: {  	_ =	shalt  }
0x61: {  	_ =	shalt  }
0x62: {  	_ =	shalt  }
0x63: {  	_ =	shalt  }
0x64: {  	_ =	shalt  }
0x65: {  	_ =	shalt  }
0x66: {  	_ =	shalt  }
0x67: {  	_ =	shalt  }
0x68: {  	_ =	shalt  }
0x69: {  	_ =	shalt  }
0x6a: {  	_ =	shalt  }
0x6b: {  	_ =	shalt  }
0x6c: {  	_ =	shalt  }
0x6d: {  	_ =	shalt  }
0x6e: {  	_ =	shalt  }
0x6f: {  	_ =	shalt  }
0x70: {  	_ =	shalt  }
0x71: {  	_ =	shalt  }
0x72: {  	_ =	shalt  }
0x73: {  	_ =	shalt  }
0x74: {  	_ =	shalt  }
0x75: {  	_ =	shalt  }
0x76: {  	_ =	shalt  }
0x77: {  	_ =	shalt  }
0x78: {  	_ =	shalt  }
0x79: {  	_ =	shalt  }
0x7a: {  	_ =	shalt  }
0x7b: {  	_ =	shalt  }
0x7c: {  	_ =	shalt  }
0x7d: {  	_ =	shalt  }
0x7e: {  	_ =	shalt  }
0x7f: {  	_ =	shalt  }
0x80: {  	_ =	shalt  }
0x81: {  	_ =	shalt  }
0x82: {  	_ =	shalt  }
0x83: {  	_ =	shalt  }
0x84: {  	_ =	shalt  }
0x85: {  	_ =	shalt  }
0x86: {  	_ =	shalt  }
0x87: {  	_ =	shalt  }
.Lfunc_end0:
.L_simem_size_0:
called_computation_lowered:
.L_overlay_start_0:
0x88: {  	s2 =	sld [smem:$0x3FD9]  }
0x89: {  	s3 =	sld [smem:$0x3FFE];
	_ =	sdelay $0x1  }
0x8a: {  	s1 =	srdreg.scid  }
0x8b: {  	s0 =	sand.u32 $0x1, s1  }
0x8c: {  	s15 =	sshll.u32 s0, $0xA;
	s2 =	sadd.s32 s3, s2  }
0x8d: {  	s2 =	sadd.s32 s2, s15  }
0x8e: {  	[smem:$0x3FC7] =	sst s2  }
0x8f: {  	_ = 	snop  }
0x90: {  	s2 =	sld [smem:$0x3FD0];
	_ =	sdelay $0x2  }
0x91: {  	s16 =	simm.s32 $0xA;
	s4 =	simm.s32 $0x10  }
0x92: {  	[smem:s4], [sflag:s16] =	dma.local [hbm:s2], $0x1  }
0x93: {  	_ =	swait.eq [sflag:s16], $0x1  }
0x94: {  	[sflag:s16] =	ssyncset.done $0x0  }
0x95: {  	s17 =	sld [smem:$0x10];
	[sflag:s16] =	ssyncadd.s32 $0xFFFFFFFF  }
0x96: {  	s18 =	sld [smem:$0x12];
	(tm) =	ssettm $0x1  }
0x97: {  	s19 =	sld [smem:$0x3FFB];
	_ =	sdelay $0x3  }
0x98: {  	_ =	strace s19  }
0x99: {  	s4 =	sld [smem:$0x3FFC];
	_ =	sdelay $0x3  }
0x9a: {  	_ =	strace s4  }
0x9b: {  	s4 =	sld [smem:$0x3FFD];
	_ =	sdelay $0x3  }
0x9c: {  	_ =	strace s4  }
0x9d: {  	_ =	strace $0x8FFFFFFF  }
0x9e: {  	s20 =	sld [smem:$0x3FDB];
	_ =	sdelay $0x1  }
0x9f: {  	s5 =	simm.s32 $_scs_section_size  }
0xa0: {  	s6 =	simm.s32 $_size__tile_overlayer_lowered;
	s7 =	simm.s32 $_tile_overlayer_lowered  }
0xa1: {  	s23 =	simm.s32 $0x1BFF;
	s22 =	sshll.u32 s7, $0x1;
	s4 =	sadd.s32 s5, s20  }
0xa2: {  	s8 =	simm.s32 $0x0;
	s21 =	sshll.u32 s6, $0x1;
	s6 =	sadd.s32 s22, s4  }
0xa3: {  	[timem:s8], [sflag:s23] =	dma.local [hbm:s6], s21  }
0xa4: {  	_ =	swait.ge [sflag:s23], s21  }
0xa5: {  	s5 =	ssub.s32 $0x0, s21;
	[sflag:s23] =	ssyncset.done $0x0  }
0xa6: {  	[sflag:s23] =	ssyncadd.s32 s5;
	_ =	sdelay $0x1  }
0xa7: {  	s24 =	simm.s32 $0x1B8B  }
0xa8: {  	_ =	swait.ge [sflag:s24], $0x1  }
0xa9: {  	[sflag:s24] =	ssyncset.done $0x0  }
0xaa: {  	s25 =	simm.s32 $0x1B8E;
	[sflag:s24] =	ssyncadd.s32 $0xFFFFFFFF  }
0xab: {  	s26 =	simm.s32 $execute0_lowered;
	[smem:$0x3FD2] =	sst s25  }
0xac: {  	s5 =	sshll.u32 s26, $0x1;
	_ =	strace $0x80000046;
	[dreg:$0x1] =	wrdreg $0xFFFFFFFF  }
0xad: {  	s28 =	simm.s32 $_size_execute0_lowered;
	s4 =	sadd.s32 s4, s5;
	[dreg:$0x0] =	wrdreg $0x0  }
0xae: {  	s5 =	sshll.u32 s28, $0x1;
	[dreg:$0x2] =	wrdreg s4  }
0xaf: {  	[dreg:$0x3] =	wrdreg s5  }
0xb0: {  	[dreg:$0x4] =	wrdreg $0xC0  }
0xb1: {  	_ =	task [dreg:s8], $0x5FFFF  }
0xb2: {  	[dreg:$0x1] =	wrdreg $0xFFFFFFFF  }
0xb3: {  	[dreg:$0x0] =	wrdreg $0x60  }
0xb4: {  	[dreg:$0x2] =	wrdreg s18  }
0xb5: {  	[dreg:$0x3] =	wrdreg s17  }
0xb6: {  	[dreg:$0x4] =	wrdreg $0x9  }
0xb7: {  	_ =	task.clear_ibuf [dreg:s8], $0x5FFFF;
	_ =	strace $0x90000046  }
0xb8: {  	s29 =	simm.s32 $0x9;
	_ =	strace $0x80000048  }
0xb9: {  	_ =	swait.ge [sflag:s29], $0x1  }
0xba: {  	[sflag:s29] =	ssyncadd.s32 $0xFFFFFFFF  }
0xbb: {  	_ =	strace $0x90000048  }
0xbc: {  	_ =	sfence  }
0xbd: {  	s30 =	sld [smem:$0x0];
	_ =	sdelay $0x2  }
0xbe: {  	s31 =	sshll.u32 s1, $0xD;
	s1 =	sshrl.u32 s1, $0x2  }
0xbf: {  	s3 =	sand.u32 $0x4000, s31;
	s1 =	sadd.s32 s1, s30  }
0xc0: {  	s0 =	sor.u32 s3, s0;
	s1 =	sshll.u32 s1, $0x11  }
0xc1: {  	s0 =	sor.u32 s1, s0  }
0xc2: {  	s0 =	sadd.s32 $0x8F2B, s0  }
0xc3: {  	[sflag:s0] =	ssyncadd.remote.s32 $0x1  }
0xc4: {  	_ =	sfence.sel $0xFFFF  }
0xc5: {  	[dreg:$0x0] =	wrdreg $0xFFFFFFFF;
	(pc) =	sbr.abs _section_cstart, $3  }
0xc6: {  	[dreg:$0x1] =	wrdreg $0xFFFFFFFF  }
0xc7: {  	_ =	task.clear_ibuf [dreg:s8], $0x2FFFF;
	_ =	strace $0x9FFFFFFF  }
0xc8: {  	(tm) =	ssettm $0x7FFFFFFF  }
0xc9: {  	_ =	shalt  }
tec
execute0_lowered:
.L_overlay_start_1:
0x0: {  	(tag) =	ssettag $0x1  }
0x1: {  	s0 =	srdreg.scid  }
0x2: {  	s6 =	sand.u32 $0x1, s0;
	s0 =	stileid.u32  }
0x3: {  	s4 =	sshll.u32 s0, $0x1;
	s5 =	ssub.s32 $0x0, s6  }
0x4: {  	p0 =	sne.s32 s4, s5  }
.Ltmp0:
0x5: {  	_ = 	snop;
	(pc) =	sbr.rel @p0 .LBB2_4-.Ltmp0, $4  }
0x6: {  	_ = 	snop  }
0x7: {  	s2 =	rddreg [dreg:$0x0]  }
0x8: {  	s3 =	rddreg [dreg:$0x1]  }
0x9: {  	s1 =	rddreg [dreg:$0x2];
	_ =	strace $0x80000047  }
0xa: {  	s5 =	simm.s32 $0x0;
	s4 =	simm.s32 $0x1  }
0xb: {  	[tilespmem:s5], [sflag:$0x1] =	stream.linear.gather [hbm4b:s2+s5], $0x80, $0x38;
	[tilespmem:$0x80] =	vst v63  }
0xc: {  	_ =	swait.ge [sflag:s4], $0x80  }
0xd: {  	[sflag:s4] =	ssyncset.done $0x0  }
0xe: {  	[sflag:s4] =	ssyncadd.s32 $0xFFFFFF80  }
0xf: {  	v0 =	vld [tilespmem:$0x0]  }
0x10: {  	s6 =	ssub.s32 $0x2, s6  }
0x11: {  	s7 =	sshrl.u32 s6, $0x1  }
0x12: {  	s6 =	ssub.s32 s6, s7  }
0x13: {  	s6 =	smax.u32 s6, $0x1  }
0x14: {  	p0 =	sne.s32 s6, $0x1;
	v0 =	vadd.f32 $1.000000000e+00, v0  }
.Ltmp1:
0x15: {  	_ = 	snop;
	(pc) =	sbr.rel @!p0 .LBB2_3-.Ltmp1, $4  }
0x16: {  	[tilespmem:$0x0] =	vst v0  }
0x17: {  	[hbm4b:s3+s5] =	stream.linear.scatter [tilespmem:s5], [sflag:$0x1], $0x80, $0x38;
	[tilespmem:$0x80] =	vst v63  }
0x18: {  	_ =	swait.ge [sflag:s4], $0x80  }
0x19: {  	s6 =	sadd.s32 $0xFFFFFFFF, s6;
	[sflag:s4] =	ssyncset.done $0x0  }
.LBB2_2:
0x1a: {  	p0 =	sne.s32 s6, $0x1;
	s6 =	sadd.s32 $0xFFFFFFFF, s6;
	[sflag:s4] =	ssyncadd.s32 $0xFFFFFF80  }
0x1b: {  	[tilespmem:s5], [sflag:$0x1] =	stream.linear.gather [hbm4b:s2+s5], $0x80, $0x38;
	[tilespmem:$0x80] =	vst v63  }
0x1c: {  	_ =	swait.ge [sflag:s4], $0x80  }
0x1d: {  	[sflag:s4] =	ssyncset.done $0x0  }
0x1e: {  	[sflag:s4] =	ssyncadd.s32 $0xFFFFFF80  }
0x1f: {  	v0 =	vld [tilespmem:$0x0];
	_ =	sdelay $0x4  }
0x20: {  	v0 =	vadd.f32 $1.000000000e+00, v0  }
.Ltmp2:
0x21: {  	(pc) =	sbr.rel @p0 .LBB2_2-.Ltmp2, $4  }
0x22: {  	[tilespmem:$0x0] =	vst v0  }
0x23: {  	[hbm4b:s3+s5] =	stream.linear.scatter [tilespmem:s5], [sflag:$0x1], $0x80, $0x38;
	[tilespmem:$0x80] =	vst v63  }
0x24: {  	_ =	swait.ge [sflag:s4], $0x80  }
0x25: {  	[sflag:s4] =	ssyncset.done $0x0  }
.LBB2_3:
0x26: {  	[sflag:s4] =	ssyncadd.s32 $0xFFFFFF80  }
.LBB2_4:
0x27: {  	_ =	sfence.sel $0x180000  }
0x28: {  	[bflag:$0x0] =	sbarrier.arrive $0xFFFF  }
0x29: {  	p0 =	sne.s32 s0, $0x0;
	_ =	strace $0x90000047  }
0x2a: {  	s0 =	sadd.s32 @!p0 $0x100000, s1;
	[bflag:$0x2] =	sbarrier.arrive $0xFFFF  }
0x2b: {  	[sflag:s0] =	ssyncadd.tile.s32 @!p0 $0x1;
	_ =	shalt  }
.Lfunc_end2:
_tile_overlayer_lowered:
.L_overlay_start_2:
0x2c: {  	(tag) =	ssettag $0x2  }
0x2d: {  	s0 =	rddreg [dreg:$0x0];
	s2 =	stileid.u32  }
0x2e: {  	s1 =	rddreg [dreg:$0x1];
	p0 =	sne.s32 s2, $0x0  }
0x2f: {  	s3 =	rddreg [dreg:$0x2];
	[bflag:$0x3] =	sbarrier.arrive $0xFFFF;
	s2 =	simm.s32 @!p0 $0x1C01  }
0x30: {  	[timem:s3], [sflag:s2] =	dma.local @!p0 [hbm:s0], s1  }
0x31: {  	s0 =	simm.s32 @!p0 $0x1  }
0x32: {  	_ =	swait.ge @!p0 [sflag:s0], s1  }
0x33: {  	s1 =	ssub.s32 @!p0 $0x0, s1;
	[sflag:s0] =	ssyncset.done @!p0 $0x0  }
0x34: {  	[sflag:s0] =	ssyncadd.s32 @!p0 s1  }
0x35: {  	[bflag:$0x3] =	sbarrier.arrive $0xFFFF  }
0x36: {  	_ =	shalt  }

</sc_bundles>
